<compile_context>
chip_gen: v7x
topology: tpu7x:2x2x1
jax: 0.10.2.dev20260603
libtpu: 0.0.44.dev20260713+nightly
codegen_flags: <defaults>
</compile_context>

<pallas_src>
import functools

import jax
import jax.numpy as jnp
from jax import lax
from jax.experimental import pallas as pl
from jax.experimental.pallas import tpu as pltpu
from jax.experimental.pallas import tpu_sc as plsc

LS = 0.1
V = 100000
B = 1024
CONF = 1.0 - LS
SMOOTH = LS / (V - 2)
GRAN = 128
SUB = 8
ALIGNED_LIMIT = (V // GRAN) * GRAN

NSTREAM = 4
SUM_BLK_ROWS = 8
NSTEP = B // (SUM_BLK_ROWS * NSTREAM)

_ROWS_PER_CORE = B // 2


def _sc_gather(output, starts):
    mesh = plsc.ScalarSubcoreMesh(axis_name="c", num_cores=2)

    @functools.partial(
        pl.kernel,
        mesh=mesh,
        out_type=jax.ShapeDtypeStruct((B, SUB, GRAN), jnp.float32),
        scratch_types=[
            pltpu.SMEM((_ROWS_PER_CORE,), jnp.int32),
            pltpu.SemaphoreType.DMA,
        ],
    )
    def k(out_hbm, st_hbm, g_hbm, st_sm, sem):
        cid = lax.axis_index("c")
        base = cid * _ROWS_PER_CORE
        pltpu.sync_copy(st_hbm.at[pl.ds(base, _ROWS_PER_CORE)], st_sm)

        @pl.loop(0, _ROWS_PER_CORE)
        def _(i):
            b = base + i
            r0 = pl.multiple_of((b // SUB) * SUB, SUB)
            st = pl.multiple_of(st_sm[i], GRAN)
            pltpu.async_copy(
                out_hbm.at[pl.ds(r0, SUB), pl.ds(st, GRAN)],
                g_hbm.at[b], sem,
            )

        @pl.loop(0, _ROWS_PER_CORE)
        def _(i):
            pltpu.make_async_copy(
                out_hbm.at[pl.ds(0, SUB), pl.ds(0, GRAN)],
                g_hbm.at[0], sem,
            ).wait()

    return k(output, starts)


def _sum_body(x0, x1, x2, x3, g_ref, c0_ref):
    g_ref[0, 0, 0] = (jnp.sum(x0[...]) + jnp.sum(x1[...])
                      + jnp.sum(x2[...]) + jnp.sum(x3[...]))
    c0_ref[0, 0, 0] = (jnp.sum(x0[:, 0:1]) + jnp.sum(x1[:, 0:1])
                       + jnp.sum(x2[:, 0:1]) + jnp.sum(x3[:, 0:1]))


def _combine_body(gp_ref, c0p_ref, g_ref, t_ref, st_ref, o_ref):
    t = t_ref[...]
    brow = jax.lax.broadcasted_iota(jnp.int32, (B, 1), 0)
    sub = jnp.bitwise_and(brow, SUB - 1)
    sub_iota = jax.lax.broadcasted_iota(jnp.int32, (B, SUB), 1)
    lane3 = jax.lax.broadcasted_iota(jnp.int32, (B, SUB, GRAN), 2)

    c = t - st_ref[...]
    bylane = jnp.sum(jnp.where(lane3 == c[:, :, None], g_ref[...], 0.0), axis=2)
    sel = jnp.sum(jnp.where(sub_iota == sub, bylane, 0.0), axis=1,
                  keepdims=True)

    t1 = jnp.sum(sel)
    t2 = jnp.sum(jnp.where(t != 0, sel, 0.0))
    n0 = jnp.sum(jnp.where(t == 0, 1.0, 0.0))

    def _acc(i, a):
        return a[0] + gp_ref[i, 0, 0], a[1] + c0p_ref[i, 0, 0]

    g_total, c0 = lax.fori_loop(0, NSTEP, _acc,
                                (jnp.float32(0.0), jnp.float32(0.0)))
    s32 = jnp.float32(SMOOTH)
    conf32 = jnp.float32(CONF)
    const = B * (conf32 * jnp.log(conf32) + (V - 2) * s32 * jnp.log(s32))
    o_ref[0, 0] = (const + n0 * s32 * jnp.log(s32)
                   - s32 * (g_total - c0 - t2) - conf32 * t1)


def kernel(output, target, one_hot):
    del one_hot
    starts = ((target // GRAN) * GRAN).astype(jnp.int32)

    gathered = _sc_gather(output, starts)

    gpart, c0part = pl.pallas_call(
        _sum_body,
        grid=(NSTEP,),
        in_specs=[
            pl.BlockSpec((SUM_BLK_ROWS, V),
                         functools.partial(lambda k, j: (NSTREAM * j + k, 0), k))
            for k in range(NSTREAM)
        ],
        out_specs=[
            pl.BlockSpec((1, 1, 1), lambda j: (j, 0, 0),
                         memory_space=pltpu.SMEM),
            pl.BlockSpec((1, 1, 1), lambda j: (j, 0, 0),
                         memory_space=pltpu.SMEM),
        ],
        out_shape=[
            jax.ShapeDtypeStruct((NSTEP, 1, 1), jnp.float32),
            jax.ShapeDtypeStruct((NSTEP, 1, 1), jnp.float32),
        ],
        compiler_params=pltpu.CompilerParams(dimension_semantics=("arbitrary",)),
    )(output, output, output, output)

    out = pl.pallas_call(
        _combine_body,
        in_specs=[
            pl.BlockSpec(memory_space=pltpu.SMEM),
            pl.BlockSpec(memory_space=pltpu.SMEM),
            pl.BlockSpec((B, SUB, GRAN), lambda: (0, 0, 0)),
            pl.BlockSpec((B, 1), lambda: (0, 0)),
            pl.BlockSpec((B, 1), lambda: (0, 0)),
        ],
        out_specs=pl.BlockSpec(memory_space=pltpu.SMEM),
        out_shape=jax.ShapeDtypeStruct((1, 1), jnp.float32),
    )(gpart, c0part, gathered, target.reshape(B, 1), starts.reshape(B, 1))
    return out[0, 0]

# --- scband reference (transcript-rebuilt; emitter-appended) ---
"""Pipeline reference for scband-label-smoothing-loss-67319317397879 (READ-ONLY COPY).

The authoritative reference and input builder live on the scoring server;
editing this copy changes nothing except your own understanding.
"""

import jax, jax.numpy as jnp
import numpy as np

LABEL_SMOOTHING = 0.1
VOCAB = 100000
IGNORE_INDEX = 0
CONFIDENCE = 1.0 - LABEL_SMOOTHING
BATCH = 1024


def setup_inputs(seed: int = 0) -> dict:
    key = jax.random.key(seed)
    k1, k2 = jax.random.split(key)
    # model output: expected to be log-probabilities (as in F.kl_div convention)
    output = jax.random.normal(k1, (BATCH, VOCAB), dtype=jnp.float32)
    target = jax.random.randint(k2, (BATCH,), 0, VOCAB, dtype=jnp.int32)
    # registered buffer 'one_hot' built exactly as in __init__
    smoothing_value = LABEL_SMOOTHING / (VOCAB - 2)
    one_hot = jnp.full((VOCAB,), smoothing_value, dtype=jnp.float32)
    one_hot = one_hot.at[IGNORE_INDEX].set(0.0)
    return {"output": output, "target": target, "one_hot": one_hot}


def reference(output, target, one_hot):
    B = output.shape[0]
    # model_prob = one_hot.repeat(B, 1); scatter_(1, target.unsqueeze(1), confidence)
    model_prob = jnp.tile(one_hot[None, :], (B, 1))
    model_prob = model_prob.at[jnp.arange(B), target].set(CONFIDENCE)
    # F.kl_div(output, model_prob, reduction='sum') with output = log-probs:
    # sum over all elements of target * (log(target) - input), with 0*log(0) := 0
    pos = model_prob > 0
    log_t = jnp.where(pos, jnp.log(jnp.where(pos, model_prob, 1.0)), 0.0)
    kl = jnp.where(pos, model_prob * (log_t - output), 0.0)
    return jnp.sum(kl)

if __name__ == "__main__":
    import jax
    _d = setup_inputs()
    print(jax.jit(kernel)(*tuple(_d.values())))

</pallas_src>

<mosaic_0001>
#map = affine_map<(d0) -> (0, 0)>
#map1 = affine_map<(d0) -> (0)>
#map2 = affine_map<(d0) -> (0, 0, 0)>
module attributes {stable_mosaic.version = 14 : i64} {
  func.func @k(%arg0: i32, %arg1: memref<1024x100000xf32, #tpu.memory_space<hbm>>, %arg2: memref<1024xi32, #tpu.memory_space<hbm>>, %arg3: memref<1024x8x128xf32, #tpu.memory_space<hbm>>, %arg4: memref<512xi32, #tpu.memory_space<smem>>, %arg5: memref<!tpu.dma_semaphore, #tpu.memory_space<semaphore_mem>>) attributes {dimension_semantics = [#tpu.dimension_semantics<core_parallel>], iteration_bounds = array<i64: 2>, scalar_prefetch = 0 : i64, scratch_operands = 2 : i64, tpu.core_type = #tpu.core_type<sc_scalar_subcore>, window_params = [{transform_indices = #map}, {transform_indices = #map1}, {transform_indices = #map2}]} {
    %mul3A = arith.constant 512 : i32
    %mul3A_0 = arith.muli %arg0, %mul3A : i32
    "tpu.region"() ({
      %run_scoped3A = tpu.sem_alloc : memref<!tpu.dma_semaphore, #tpu.memory_space<semaphore_mem>>
      %dma_start3A = tpu.memref_slice %arg2[%mul3A_0] : memref<1024xi32, #tpu.memory_space<hbm>> -> memref<512xi32, #tpu.memory_space<hbm>>
      tpu.enqueue_dma source(%dma_start3A : memref<512xi32, #tpu.memory_space<hbm>>) target(%arg4 : memref<512xi32, #tpu.memory_space<smem>>) target_semaphore(%run_scoped3A : memref<!tpu.dma_semaphore, #tpu.memory_space<semaphore_mem>>)
      %dma_wait3A = tpu.memref_slice %arg2[%mul3A_0] : memref<1024xi32, #tpu.memory_space<hbm>> -> memref<512xi32, #tpu.memory_space<hbm>>
      tpu.wait_dma2 semaphore(%run_scoped3A : memref<!tpu.dma_semaphore, #tpu.memory_space<semaphore_mem>>) src(%dma_wait3A : memref<512xi32, #tpu.memory_space<hbm>>) dst(%arg4 : memref<512xi32, #tpu.memory_space<smem>>)
      tpu.yield
    }) : () -> ()
    %scan3A = arith.constant 0 : i32
    %scan3A_1 = arith.constant 512 : i32
    %scan3A_2 = arith.addi %scan3A, %scan3A_1 : i32
    %scan3A_3 = arith.constant 1 : i32
    scf.for %scan3A_10 = %scan3A to %scan3A_2 step %scan3A_3  : i32 {
      %mul3A_11 = arith.constant 1 : i32
      %mul3A_12 = arith.muli %scan3A_10, %mul3A_11 : i32
      %add3A = arith.constant 0 : i32
      %add3A_13 = arith.addi %add3A, %mul3A_12 : i32
      %add3A_14 = arith.addi %mul3A_0, %add3A_13 : i32
      %jit3A = arith.constant 8 : i32
      %div3A = arith.divsi %add3A_14, %jit3A : i32
      %sign3A = arith.constant 0 : i32
      %sign3A_15 = arith.cmpi sgt, %add3A_14, %sign3A : i32
      %sign3A_16 = arith.extui %sign3A_15 : i1 to i32
      %sign3A_17 = arith.constant 0 : i32
      %sign3A_18 = arith.cmpi slt, %add3A_14, %sign3A_17 : i32
      %sign3A_19 = arith.extui %sign3A_18 : i1 to i32
      %sign3A_20 = arith.subi %sign3A_16, %sign3A_19 : i32
      %sign3A_21 = arith.constant 0 : i32
      %sign3A_22 = arith.cmpi sgt, %jit3A, %sign3A_21 : i32
      %sign3A_23 = arith.extui %sign3A_22 : i1 to i32
      %sign3A_24 = arith.constant 0 : i32
      %sign3A_25 = arith.cmpi slt, %jit3A, %sign3A_24 : i32
      %sign3A_26 = arith.extui %sign3A_25 : i1 to i32
      %sign3A_27 = arith.subi %sign3A_23, %sign3A_26 : i32
      %ne3A = arith.cmpi ne, %sign3A_20, %sign3A_27 : i32
      %rem3A = arith.remsi %add3A_14, %jit3A : i32
      %ne3A_28 = arith.constant 0 : i32
      %ne3A_29 = arith.cmpi ne, %rem3A, %ne3A_28 : i32
      %and3A = arith.andi %ne3A, %ne3A_29 : i1
      %sub3A = arith.constant 1 : i32
      %sub3A_30 = arith.subi %div3A, %sub3A : i32
      %select_n3A = arith.select %and3A, %sub3A_30, %div3A : i32
      %mul3A_31 = arith.constant 8 : i32
      %mul3A_32 = arith.muli %select_n3A, %mul3A_31 : i32
      %multiple_of3A = tpu.assume_multiple %mul3A_32, 8 : i32
      %get3A = arith.index_cast %add3A_13 : i32 to index
      %get3A_33 = memref.load %arg4[%get3A] : memref<512xi32, #tpu.memory_space<smem>>
      %multiple_of3A_34 = tpu.assume_multiple %get3A_33, 128 : i32
      %dma_start3A = arith.constant 0 : i32
      %dma_start3A_35 = arith.constant 0 : i32
      %dma_start3A_36 = tpu.memref_slice %arg3[%add3A_14, %dma_start3A, %dma_start3A_35] : memref<1024x8x128xf32, #tpu.memory_space<hbm>> -> memref<1x8x128xf32, #tpu.memory_space<hbm>>
      %dma_start3A_37 = tpu.memref_squeeze %dma_start3A_36 : memref<1x8x128xf32, #tpu.memory_space<hbm>> -> memref<8x128xf32, #tpu.memory_space<hbm>>
      %dma_start3A_38 = tpu.memref_slice %arg1[%multiple_of3A, %multiple_of3A_34] : memref<1024x100000xf32, #tpu.memory_space<hbm>> -> memref<8x128xf32, #tpu.memory_space<hbm>>
      tpu.enqueue_dma source(%dma_start3A_38 : memref<8x128xf32, #tpu.memory_space<hbm>>) target(%dma_start3A_37 : memref<8x128xf32, #tpu.memory_space<hbm>>) target_semaphore(%arg5 : memref<!tpu.dma_semaphore, #tpu.memory_space<semaphore_mem>>)
    }
    %scan3A_4 = arith.constant 512 : i32
    %scan3A_5 = arith.constant 0 : i32
    %scan3A_6 = arith.constant 512 : i32
    %scan3A_7 = arith.addi %scan3A_5, %scan3A_6 : i32
    %scan3A_8 = arith.constant 1 : i32
    scf.for %scan3A_10 = %scan3A_5 to %scan3A_7 step %scan3A_8  : i32 {
      %mul3A_11 = arith.constant 1 : i32
      %mul3A_12 = arith.muli %scan3A_10, %mul3A_11 : i32
      %add3A = arith.constant 0 : i32
      %add3A_13 = arith.addi %add3A, %mul3A_12 : i32
      %dma_wait3A = arith.constant 0 : i32
      %dma_wait3A_14 = arith.constant 0 : i32
      %dma_wait3A_15 = arith.constant 0 : i32
      %dma_wait3A_16 = tpu.memref_slice %arg3[%dma_wait3A, %dma_wait3A_14, %dma_wait3A_15] : memref<1024x8x128xf32, #tpu.memory_space<hbm>> -> memref<1x8x128xf32, #tpu.memory_space<hbm>>
      %dma_wait3A_17 = tpu.memref_squeeze %dma_wait3A_16 : memref<1x8x128xf32, #tpu.memory_space<hbm>> -> memref<8x128xf32, #tpu.memory_space<hbm>>
      %dma_wait3A_18 = arith.constant 0 : i32
      %dma_wait3A_19 = arith.constant 0 : i32
      %dma_wait3A_20 = tpu.memref_slice %arg1[%dma_wait3A_18, %dma_wait3A_19] : memref<1024x100000xf32, #tpu.memory_space<hbm>> -> memref<8x128xf32, #tpu.memory_space<hbm>>
      tpu.wait_dma2 semaphore(%arg5 : memref<!tpu.dma_semaphore, #tpu.memory_space<semaphore_mem>>) src(%dma_wait3A_20 : memref<8x128xf32, #tpu.memory_space<hbm>>) dst(%dma_wait3A_17 : memref<8x128xf32, #tpu.memory_space<hbm>>)
    }
    %scan3A_9 = arith.constant 512 : i32
    return
  }
}

module attributes {stable_mosaic.version = 14 : i64} {
  func.func @_sum_body(%arg0: i32, %arg1: memref<8x100000xf32, #tpu.memory_space<vmem>>, %arg2: memref<8x100000xf32, #tpu.memory_space<vmem>>, %arg3: memref<8x100000xf32, #tpu.memory_space<vmem>>, %arg4: memref<8x100000xf32, #tpu.memory_space<vmem>>, %arg5: memref<1x1x1xf32, #tpu.memory_space<smem>>, %arg6: memref<1x1x1xf32, #tpu.memory_space<smem>>) attributes {dimension_semantics = [#tpu.dimension_semantics<arbitrary>], iteration_bounds = array<i64: 32>, scalar_prefetch = 0 : i64, scratch_operands = 0 : i64, tpu.core_type = #tpu.core_type<tc>, window_params = [{transform_indices = @transform_0, window_bounds = array<i64: 8, 100000>}, {transform_indices = @transform_1, window_bounds = array<i64: 8, 100000>}, {transform_indices = @transform_2, window_bounds = array<i64: 8, 100000>}, {transform_indices = @transform_3, window_bounds = array<i64: 8, 100000>}, {transform_indices = @transform_4, window_bounds = array<i64: 1, 1, 1>}, {transform_indices = @transform_5, window_bounds = array<i64: 1, 1, 1>}]} {
    %get3A = arith.constant 0 : index
    %get3A_0 = arith.constant 0 : index
    %get3A_1 = vector.load %arg1[%get3A, %get3A_0] : memref<8x100000xf32, #tpu.memory_space<vmem>>, vector<8x100000xf32>
    %reduce_sum3A = vector.shape_cast %get3A_1 : vector<8x100000xf32> to vector<1x8x100000xf32>
    %reduce_sum3A_2 = arith.constant dense<0.000000e+00> : vector<1xf32>
    %reduce_sum3A_3 = vector.multi_reduction <add>, %reduce_sum3A, %reduce_sum3A_2 [1, 2] : vector<1x8x100000xf32> to vector<1xf32>
    %reduce_sum3A_4 = vector.shape_cast %reduce_sum3A_3 : vector<1xf32> to vector<1x1x1xf32>
    %reduce_sum3A_5 = vector.extract %reduce_sum3A_4[0, 0, 0] : f32 from vector<1x1x1xf32>
    %get3A_6 = arith.constant 0 : index
    %get3A_7 = arith.constant 0 : index
    %get3A_8 = vector.load %arg2[%get3A_6, %get3A_7] : memref<8x100000xf32, #tpu.memory_space<vmem>>, vector<8x100000xf32>
    %reduce_sum3A_9 = vector.shape_cast %get3A_8 : vector<8x100000xf32> to vector<1x8x100000xf32>
    %reduce_sum3A_10 = arith.constant dense<0.000000e+00> : vector<1xf32>
    %reduce_sum3A_11 = vector.multi_reduction <add>, %reduce_sum3A_9, %reduce_sum3A_10 [1, 2] : vector<1x8x100000xf32> to vector<1xf32>
    %reduce_sum3A_12 = vector.shape_cast %reduce_sum3A_11 : vector<1xf32> to vector<1x1x1xf32>
    %reduce_sum3A_13 = vector.extract %reduce_sum3A_12[0, 0, 0] : f32 from vector<1x1x1xf32>
    %add3A = arith.addf %reduce_sum3A_5, %reduce_sum3A_13 : f32
    %get3A_14 = arith.constant 0 : index
    %get3A_15 = arith.constant 0 : index
    %get3A_16 = vector.load %arg3[%get3A_14, %get3A_15] : memref<8x100000xf32, #tpu.memory_space<vmem>>, vector<8x100000xf32>
    %reduce_sum3A_17 = vector.shape_cast %get3A_16 : vector<8x100000xf32> to vector<1x8x100000xf32>
    %reduce_sum3A_18 = arith.constant dense<0.000000e+00> : vector<1xf32>
    %reduce_sum3A_19 = vector.multi_reduction <add>, %reduce_sum3A_17, %reduce_sum3A_18 [1, 2] : vector<1x8x100000xf32> to vector<1xf32>
    %reduce_sum3A_20 = vector.shape_cast %reduce_sum3A_19 : vector<1xf32> to vector<1x1x1xf32>
    %reduce_sum3A_21 = vector.extract %reduce_sum3A_20[0, 0, 0] : f32 from vector<1x1x1xf32>
    %add3A_22 = arith.addf %add3A, %reduce_sum3A_21 : f32
    %get3A_23 = arith.constant 0 : index
    %get3A_24 = arith.constant 0 : index
    %get3A_25 = vector.load %arg4[%get3A_23, %get3A_24] : memref<8x100000xf32, #tpu.memory_space<vmem>>, vector<8x100000xf32>
    %reduce_sum3A_26 = vector.shape_cast %get3A_25 : vector<8x100000xf32> to vector<1x8x100000xf32>
    %reduce_sum3A_27 = arith.constant dense<0.000000e+00> : vector<1xf32>
    %reduce_sum3A_28 = vector.multi_reduction <add>, %reduce_sum3A_26, %reduce_sum3A_27 [1, 2] : vector<1x8x100000xf32> to vector<1xf32>
    %reduce_sum3A_29 = vector.shape_cast %reduce_sum3A_28 : vector<1xf32> to vector<1x1x1xf32>
    %reduce_sum3A_30 = vector.extract %reduce_sum3A_29[0, 0, 0] : f32 from vector<1x1x1xf32>
    %add3A_31 = arith.addf %add3A_22, %reduce_sum3A_30 : f32
    %swap3A = arith.constant 0 : index
    %swap3A_32 = arith.constant 0 : index
    %swap3A_33 = arith.constant 0 : index
    %swap3A_34 = memref.load %arg5[%swap3A, %swap3A_32, %swap3A_33] : memref<1x1x1xf32, #tpu.memory_space<smem>>
    memref.store %add3A_31, %arg5[%swap3A, %swap3A_32, %swap3A_33] : memref<1x1x1xf32, #tpu.memory_space<smem>>
    %get3A_35 = arith.constant 0 : index
    %get3A_36 = arith.constant 0 : index
    %get3A_37 = vector.load %arg1[%get3A_35, %get3A_36] : memref<8x100000xf32, #tpu.memory_space<vmem>>, vector<8x1xf32>
    %reduce_sum3A_38 = vector.shape_cast %get3A_37 : vector<8x1xf32> to vector<1x8x1xf32>
    %reduce_sum3A_39 = arith.constant dense<0.000000e+00> : vector<1xf32>
    %reduce_sum3A_40 = vector.multi_reduction <add>, %reduce_sum3A_38, %reduce_sum3A_39 [1, 2] : vector<1x8x1xf32> to vector<1xf32>
    %reduce_sum3A_41 = vector.shape_cast %reduce_sum3A_40 : vector<1xf32> to vector<1x1x1xf32>
    %reduce_sum3A_42 = vector.extract %reduce_sum3A_41[0, 0, 0] : f32 from vector<1x1x1xf32>
    %get3A_43 = arith.constant 0 : index
    %get3A_44 = arith.constant 0 : index
    %get3A_45 = vector.load %arg2[%get3A_43, %get3A_44] : memref<8x100000xf32, #tpu.memory_space<vmem>>, vector<8x1xf32>
    %reduce_sum3A_46 = vector.shape_cast %get3A_45 : vector<8x1xf32> to vector<1x8x1xf32>
    %reduce_sum3A_47 = arith.constant dense<0.000000e+00> : vector<1xf32>
    %reduce_sum3A_48 = vector.multi_reduction <add>, %reduce_sum3A_46, %reduce_sum3A_47 [1, 2] : vector<1x8x1xf32> to vector<1xf32>
    %reduce_sum3A_49 = vector.shape_cast %reduce_sum3A_48 : vector<1xf32> to vector<1x1x1xf32>
    %reduce_sum3A_50 = vector.extract %reduce_sum3A_49[0, 0, 0] : f32 from vector<1x1x1xf32>
    %add3A_51 = arith.addf %reduce_sum3A_42, %reduce_sum3A_50 : f32
    %get3A_52 = arith.constant 0 : index
    %get3A_53 = arith.constant 0 : index
    %get3A_54 = vector.load %arg3[%get3A_52, %get3A_53] : memref<8x100000xf32, #tpu.memory_space<vmem>>, vector<8x1xf32>
    %reduce_sum3A_55 = vector.shape_cast %get3A_54 : vector<8x1xf32> to vector<1x8x1xf32>
    %reduce_sum3A_56 = arith.constant dense<0.000000e+00> : vector<1xf32>
    %reduce_sum3A_57 = vector.multi_reduction <add>, %reduce_sum3A_55, %reduce_sum3A_56 [1, 2] : vector<1x8x1xf32> to vector<1xf32>
    %reduce_sum3A_58 = vector.shape_cast %reduce_sum3A_57 : vector<1xf32> to vector<1x1x1xf32>
    %reduce_sum3A_59 = vector.extract %reduce_sum3A_58[0, 0, 0] : f32 from vector<1x1x1xf32>
    %add3A_60 = arith.addf %add3A_51, %reduce_sum3A_59 : f32
    %get3A_61 = arith.constant 0 : index
    %get3A_62 = arith.constant 0 : index
    %get3A_63 = vector.load %arg4[%get3A_61, %get3A_62] : memref<8x100000xf32, #tpu.memory_space<vmem>>, vector<8x1xf32>
    %reduce_sum3A_64 = vector.shape_cast %get3A_63 : vector<8x1xf32> to vector<1x8x1xf32>
    %reduce_sum3A_65 = arith.constant dense<0.000000e+00> : vector<1xf32>
    %reduce_sum3A_66 = vector.multi_reduction <add>, %reduce_sum3A_64, %reduce_sum3A_65 [1, 2] : vector<1x8x1xf32> to vector<1xf32>
    %reduce_sum3A_67 = vector.shape_cast %reduce_sum3A_66 : vector<1xf32> to vector<1x1x1xf32>
    %reduce_sum3A_68 = vector.extract %reduce_sum3A_67[0, 0, 0] : f32 from vector<1x1x1xf32>
    %add3A_69 = arith.addf %add3A_60, %reduce_sum3A_68 : f32
    %swap3A_70 = arith.constant 0 : index
    %swap3A_71 = arith.constant 0 : index
    %swap3A_72 = arith.constant 0 : index
    %swap3A_73 = memref.load %arg6[%swap3A_70, %swap3A_71, %swap3A_72] : memref<1x1x1xf32, #tpu.memory_space<smem>>
    memref.store %add3A_69, %arg6[%swap3A_70, %swap3A_71, %swap3A_72] : memref<1x1x1xf32, #tpu.memory_space<smem>>
    return
  }
  func.func @transform_0(%arg0: i32) -> (i32, i32) {
    %mul3A = arith.constant 4 : i32
    %mul3A_0 = arith.muli %mul3A, %arg0 : i32
    %add3A = arith.constant 0 : i32
    %add3A_1 = arith.addi %mul3A_0, %add3A : i32
    %c0_i32 = arith.constant 0 : i32
    %c0_i32_2 = arith.constant 0 : i32
    return %add3A_1, %c0_i32 : i32, i32
  }
  func.func @transform_1(%arg0: i32) -> (i32, i32) {
    %mul3A = arith.constant 4 : i32
    %mul3A_0 = arith.muli %mul3A, %arg0 : i32
    %add3A = arith.constant 1 : i32
    %add3A_1 = arith.addi %mul3A_0, %add3A : i32
    %c0_i32 = arith.constant 0 : i32
    %c0_i32_2 = arith.constant 0 : i32
    return %add3A_1, %c0_i32 : i32, i32
  }
  func.func @transform_2(%arg0: i32) -> (i32, i32) {
    %mul3A = arith.constant 4 : i32
    %mul3A_0 = arith.muli %mul3A, %arg0 : i32
    %add3A = arith.constant 2 : i32
    %add3A_1 = arith.addi %mul3A_0, %add3A : i32
    %c0_i32 = arith.constant 0 : i32
    %c0_i32_2 = arith.constant 0 : i32
    return %add3A_1, %c0_i32 : i32, i32
  }
  func.func @transform_3(%arg0: i32) -> (i32, i32) {
    %mul3A = arith.constant 4 : i32
    %mul3A_0 = arith.muli %mul3A, %arg0 : i32
    %add3A = arith.constant 3 : i32
    %add3A_1 = arith.addi %mul3A_0, %add3A : i32
    %c0_i32 = arith.constant 0 : i32
    %c0_i32_2 = arith.constant 0 : i32
    return %add3A_1, %c0_i32 : i32, i32
  }
  func.func @transform_4(%arg0: i32) -> (i32, i32, i32) {
    %c0_i32 = arith.constant 0 : i32
    %c0_i32_0 = arith.constant 0 : i32
    %c0_i32_1 = arith.constant 0 : i32
    return %arg0, %c0_i32, %c0_i32_0 : i32, i32, i32
  }
  func.func @transform_5(%arg0: i32) -> (i32, i32, i32) {
    %c0_i32 = arith.constant 0 : i32
    %c0_i32_0 = arith.constant 0 : i32
    %c0_i32_1 = arith.constant 0 : i32
    return %arg0, %c0_i32, %c0_i32_0 : i32, i32, i32
  }
}

module attributes {stable_mosaic.version = 14 : i64} {
  func.func @_combine_body(%arg0: memref<32x1x1xf32, #tpu.memory_space<smem>>, %arg1: memref<32x1x1xf32, #tpu.memory_space<smem>>, %arg2: memref<1024x8x128xf32, #tpu.memory_space<vmem>>, %arg3: memref<1024x1xi32, #tpu.memory_space<vmem>>, %arg4: memref<1024x1xi32, #tpu.memory_space<vmem>>, %arg5: memref<1x1xf32, #tpu.memory_space<smem>>) attributes {dimension_semantics = [], scalar_prefetch = 0 : i64, scratch_operands = 0 : i64, tpu.core_type = #tpu.core_type<tc>} {
    %get3A = arith.constant 0 : index
    %get3A_0 = arith.constant 0 : index
    %get3A_1 = vector.load %arg3[%get3A, %get3A_0] : memref<1024x1xi32, #tpu.memory_space<vmem>>, vector<1024x1xi32>
    %iota3A = tpu.iota {dimensions = array<i32: 0>} : vector<1024x1xi32>
    %and3A = arith.constant 7 : i32
    %and3A_2 = vector.broadcast %and3A : i32 to vector<1024x1xi32>
    %and3A_3 = arith.andi %iota3A, %and3A_2 : vector<1024x1xi32>
    %iota3A_4 = tpu.iota {dimensions = array<i32: 1>} : vector<1024x8xi32>
    %iota3A_5 = tpu.iota {dimensions = array<i32: 2>} : vector<1024x8x128xi32>
    %get3A_6 = arith.constant 0 : index
    %get3A_7 = arith.constant 0 : index
    %get3A_8 = vector.load %arg4[%get3A_6, %get3A_7] : memref<1024x1xi32, #tpu.memory_space<vmem>>, vector<1024x1xi32>
    %sub3A = arith.subi %get3A_1, %get3A_8 : vector<1024x1xi32>
    %broadcast_in_dim3A = vector.shape_cast %sub3A : vector<1024x1xi32> to vector<1024x1x1xi32>
    %eq3A = vector.broadcast %broadcast_in_dim3A : vector<1024x1x1xi32> to vector<1024x8x128xi32>
    %eq3A_9 = arith.cmpi eq, %iota3A_5, %eq3A : vector<1024x8x128xi32>
    %get3A_10 = arith.constant 0 : index
    %get3A_11 = arith.constant 0 : index
    %get3A_12 = arith.constant 0 : index
    %get3A_13 = vector.load %arg2[%get3A_10, %get3A_11, %get3A_12] : memref<1024x8x128xf32, #tpu.memory_space<vmem>>, vector<1024x8x128xf32>
    %jit3A = arith.constant 0.000000e+00 : f32
    %broadcast_in_dim3A_14 = vector.broadcast %jit3A : f32 to vector<1024x8x128xf32>
    %select_n3A = arith.select %eq3A_9, %get3A_13, %broadcast_in_dim3A_14 : vector<1024x8x128xi1>, vector<1024x8x128xf32>
    %reduce_sum3A = arith.constant dense<0.000000e+00> : vector<1024x8xf32>
    %reduce_sum3A_15 = vector.multi_reduction <add>, %select_n3A, %reduce_sum3A [2] : vector<1024x8x128xf32> to vector<1024x8xf32>
    %eq3A_16 = vector.broadcast %and3A_3 : vector<1024x1xi32> to vector<1024x8xi32>
    %eq3A_17 = arith.cmpi eq, %iota3A_4, %eq3A_16 : vector<1024x8xi32>
    %jit3A_18 = arith.constant 0.000000e+00 : f32
    %broadcast_in_dim3A_19 = vector.broadcast %jit3A_18 : f32 to vector<1024x8xf32>
    %select_n3A_20 = arith.select %eq3A_17, %reduce_sum3A_15, %broadcast_in_dim3A_19 : vector<1024x8xi1>, vector<1024x8xf32>
    %reduce_sum3A_21 = arith.constant dense<0.000000e+00> : vector<1024xf32>
    %reduce_sum3A_22 = vector.multi_reduction <add>, %select_n3A_20, %reduce_sum3A_21 [1] : vector<1024x8xf32> to vector<1024xf32>
    %broadcast_in_dim3A_23 = vector.shape_cast %reduce_sum3A_22 : vector<1024xf32> to vector<1024x1xf32>
    %reduce_sum3A_24 = vector.shape_cast %broadcast_in_dim3A_23 : vector<1024x1xf32> to vector<1x1024x1xf32>
    %reduce_sum3A_25 = arith.constant dense<0.000000e+00> : vector<1xf32>
    %reduce_sum3A_26 = vector.multi_reduction <add>, %reduce_sum3A_24, %reduce_sum3A_25 [1, 2] : vector<1x1024x1xf32> to vector<1xf32>
    %reduce_sum3A_27 = vector.shape_cast %reduce_sum3A_26 : vector<1xf32> to vector<1x1x1xf32>
    %reduce_sum3A_28 = vector.extract %reduce_sum3A_27[0, 0, 0] : f32 from vector<1x1x1xf32>
    %ne3A = arith.constant 0 : i32
    %ne3A_29 = vector.broadcast %ne3A : i32 to vector<1024x1xi32>
    %ne3A_30 = arith.cmpi ne, %get3A_1, %ne3A_29 : vector<1024x1xi32>
    %jit3A_31 = arith.constant 0.000000e+00 : f32
    %broadcast_in_dim3A_32 = vector.broadcast %jit3A_31 : f32 to vector<1024x1xf32>
    %select_n3A_33 = arith.select %ne3A_30, %broadcast_in_dim3A_23, %broadcast_in_dim3A_32 : vector<1024x1xi1>, vector<1024x1xf32>
    %reduce_sum3A_34 = vector.shape_cast %select_n3A_33 : vector<1024x1xf32> to vector<1x1024x1xf32>
    %reduce_sum3A_35 = arith.constant dense<0.000000e+00> : vector<1xf32>
    %reduce_sum3A_36 = vector.multi_reduction <add>, %reduce_sum3A_34, %reduce_sum3A_35 [1, 2] : vector<1x1024x1xf32> to vector<1xf32>
    %reduce_sum3A_37 = vector.shape_cast %reduce_sum3A_36 : vector<1xf32> to vector<1x1x1xf32>
    %reduce_sum3A_38 = vector.extract %reduce_sum3A_37[0, 0, 0] : f32 from vector<1x1x1xf32>
    %eq3A_39 = arith.constant 0 : i32
    %eq3A_40 = vector.broadcast %eq3A_39 : i32 to vector<1024x1xi32>
    %eq3A_41 = arith.cmpi eq, %get3A_1, %eq3A_40 : vector<1024x1xi32>
    %jit3A_42 = arith.constant 1.000000e+00 : f32
    %jit3A_43 = arith.constant 0.000000e+00 : f32
    %broadcast_in_dim3A_44 = vector.broadcast %jit3A_42 : f32 to vector<1024x1xf32>
    %broadcast_in_dim3A_45 = vector.broadcast %jit3A_43 : f32 to vector<1024x1xf32>
    %select_n3A_46 = arith.select %eq3A_41, %broadcast_in_dim3A_44, %broadcast_in_dim3A_45 : vector<1024x1xi1>, vector<1024x1xf32>
    %reduce_sum3A_47 = vector.shape_cast %select_n3A_46 : vector<1024x1xf32> to vector<1x1024x1xf32>
    %reduce_sum3A_48 = arith.constant dense<0.000000e+00> : vector<1xf32>
    %reduce_sum3A_49 = vector.multi_reduction <add>, %reduce_sum3A_47, %reduce_sum3A_48 [1, 2] : vector<1x1024x1xf32> to vector<1xf32>
    %reduce_sum3A_50 = vector.shape_cast %reduce_sum3A_49 : vector<1xf32> to vector<1x1x1xf32>
    %reduce_sum3A_51 = vector.extract %reduce_sum3A_50[0, 0, 0] : f32 from vector<1x1x1xf32>
    %scan3A = arith.constant 0.000000e+00 : f32
    %scan3A_52 = arith.constant 0.000000e+00 : f32
    %scan3A_53 = arith.constant 0 : i32
    %scan3A_54 = arith.constant 32 : i32
    %scan3A_55 = arith.addi %scan3A_53, %scan3A_54 : i32
    %scan3A_56 = arith.constant 1 : i32
    %scan3A_57:2 = scf.for %scan3A_85 = %scan3A_53 to %scan3A_55 step %scan3A_56 iter_args(%scan3A_86 = %scan3A, %scan3A_87 = %scan3A_52) -> (f32, f32)  : i32 {
      %get3A_88 = arith.index_cast %scan3A_85 : i32 to index
      %get3A_89 = arith.constant 0 : index
      %get3A_90 = arith.constant 0 : index
      %get3A_91 = memref.load %arg0[%get3A_88, %get3A_89, %get3A_90] : memref<32x1x1xf32, #tpu.memory_space<smem>>
      %add3A_92 = arith.addf %scan3A_86, %get3A_91 : f32
      %get3A_93 = arith.index_cast %scan3A_85 : i32 to index
      %get3A_94 = arith.constant 0 : index
      %get3A_95 = arith.constant 0 : index
      %get3A_96 = memref.load %arg1[%get3A_93, %get3A_94, %get3A_95] : memref<32x1x1xf32, #tpu.memory_space<smem>>
      %add3A_97 = arith.addf %scan3A_87, %get3A_96 : f32
      scf.yield %add3A_92, %add3A_97 : f32, f32
    }
    %scan3A_58 = arith.constant 32 : i32
    %log3A = arith.constant 0.899999976 : f32
    %log3A_59 = math.log %log3A : f32
    %mul3A = arith.constant 0.899999976 : f32
    %mul3A_60 = arith.mulf %mul3A, %log3A_59 : f32
    %mul3A_61 = arith.constant 9.999800e+04 : f32
    %mul3A_62 = arith.constant 1.000020e-06 : f32
    %mul3A_63 = arith.mulf %mul3A_61, %mul3A_62 : f32
    %log3A_64 = arith.constant 1.000020e-06 : f32
    %log3A_65 = math.log %log3A_64 : f32
    %mul3A_66 = arith.mulf %mul3A_63, %log3A_65 : f32
    %add3A = arith.addf %mul3A_60, %mul3A_66 : f32
    %mul3A_67 = arith.constant 1.024000e+03 : f32
    %mul3A_68 = arith.mulf %mul3A_67, %add3A : f32
    %mul3A_69 = arith.constant 1.000020e-06 : f32
    %mul3A_70 = arith.mulf %reduce_sum3A_51, %mul3A_69 : f32
    %log3A_71 = arith.constant 1.000020e-06 : f32
    %log3A_72 = math.log %log3A_71 : f32
    %mul3A_73 = arith.mulf %mul3A_70, %log3A_72 : f32
    %add3A_74 = arith.addf %mul3A_68, %mul3A_73 : f32
    %sub3A_75 = arith.subf %scan3A_57#0, %scan3A_57#1 : f32
    %sub3A_76 = arith.subf %sub3A_75, %reduce_sum3A_38 : f32
    %mul3A_77 = arith.constant 1.000020e-06 : f32
    %mul3A_78 = arith.mulf %mul3A_77, %sub3A_76 : f32
    %sub3A_79 = arith.subf %add3A_74, %mul3A_78 : f32
    %mul3A_80 = arith.constant 0.899999976 : f32
    %mul3A_81 = arith.mulf %mul3A_80, %reduce_sum3A_28 : f32
    %sub3A_82 = arith.subf %sub3A_79, %mul3A_81 : f32
    %swap3A = arith.constant 0 : index
    %swap3A_83 = arith.constant 0 : index
    %swap3A_84 = memref.load %arg5[%swap3A, %swap3A_83] : memref<1x1xf32, #tpu.memory_space<smem>>
    memref.store %sub3A_82, %arg5[%swap3A, %swap3A_83] : memref<1x1xf32, #tpu.memory_space<smem>>
    return
  }
}

</mosaic_0001>

<sc_bundles>
// kernel: kernel.5.cloned.1.call-start
scs
__scs_entry_jumppad:
0x0: {  	(pc) =	sbr.rel $0x88, $3  }
0x1: {  	(tag) =	ssettag $0x0;
	lr =	simm.s32 $0x1  }
0x2: {  	[smem:$0x3F9F] =	sst lr;
	_ =	strace $0xD0000000  }
0x3: {  	_ = 	snop  }
0x4: {  	_ = 	snop  }
0x5: {  	_ = 	snop  }
0x6: {  	_ = 	snop  }
0x7: {  	_ = 	snop  }
__scs_overlays_trampoline_lowered:
0x8: {  	[smem:$0x3FAE] =	sst s0  }
0x9: {  	[smem:$0x3FAF] =	sst s1  }
0xa: {  	[smem:$0x3FB0] =	sst s2  }
0xb: {  	[smem:$0x3FB1] =	sst s3  }
0xc: {  	[smem:$0x3FB2] =	sst s4  }
0xd: {  	[smem:$0x3FB3] =	sst s5  }
0xe: {  	[smem:$0x3FB4] =	sst s6  }
0xf: {  	[smem:$0x3FB5] =	sst s7  }
0x10: {  	[smem:$0x3FB6] =	sst s8  }
0x11: {  	[smem:$0x3FB7] =	sst s9;
	s0 =	simm.s32 @!p0 $0x0  }
0x12: {  	s1 =	sld [smem:$0x3F9D];
	s0 =	simm.s32 @p0 $0x1  }
0x13: {  	[smem:$0x3FB8] =	sst s0;
	s0 =	simm.s32 @!p1 $0x0  }
0x14: {  	s2 =	sld [smem:$0x3F9C];
	s0 =	simm.s32 @p1 $0x1  }
0x15: {  	[smem:$0x3FB9] =	sst s0;
	s0 =	simm.s32 @!p2 $0x0  }
0x16: {  	s3 =	sld [smem:$0x3FDB];
	s0 =	simm.s32 @p2 $0x1  }
0x17: {  	s4 =	simm.s32 $0x1BF5;
	[smem:$0x3FBB] =	sst s0  }
0x18: {  	s0 =	sld [smem:$0x3F9E];
	_ =	swait.ge [sflag:s4], $0x0  }
0x19: {  	s7 =	sld [smem:$0x3F9F]  }
0x1a: {  	s8 =	sadd.s32 $0xFFFFE003, lr  }
0x1b: {  	s9 =	sadd.s32 $0xFFFFFEF7, lr;
	s5 =	simm.s32 $0xFFFFFFFF;
	p2 =	slt.u32 s8, $0xFFFFF086  }
0x1c: {  	p1 =	slt.u32 s9, $0xF7A;
	s5 =	simm.s32 @!p2 $0x0  }
0x1d: {  	s5 =	simm.s32 @p1 $0x1;
	p0 =	seq.s32 s7, s2  }
0x1e: {  	s7 =	smul.u32 @!p0 $0xF7A, s2;
	p2 =	seq.s32 @!p0 s5, $0x0  }
0x1f: {  	s9 =	smul.u32 $0xF7A, s1;
	s8 =	simm.s32 @!p0 $0x1BF5;
	p2 =	por !p2, p0  }
0x20: {  	[sflag:s8] =	ssyncset.s32 @!p0 $0xFFFFF086;
	s6 =	sadd.s32 @!p0 s3, s7;
	s7 =	simm.s32 @!p0 $0x108  }
0x21: {  	s3 =	sadd.s32 s3, s9;
	s6 =	sadd.s32 @!p0 $0x88, s6;
	s7 =	simm.s32 @p2 $0x1082  }
0x22: {  	[simem:s7], [sflag:s8] =	dma.local @!p0 [hbm:s6], $0xF7A  }
0x23: {  	s9 =	sor.u32 $0xD0000000, s2;
	s6 =	simm.s32 $0x108;
	_ =	swait.ge @!p0 [sflag:s8], $0x0  }
0x24: {  	s3 =	sadd.s32 $0x88, s3;
	s6 =	simm.s32 @!p1 $0x1082;
	[sflag:s4] =	ssyncset.s32 $0xFFFFF086  }
0x25: {  	[simem:s6], [sflag:s4] =	dma.local [hbm:s3], $0xF7A  }
0x26: {  	[smem:$0x3F9F] =	sst s1;
	(tag) =	ssettag s2;
	_ =	strace s9  }
0x27: {  	s1 =	sld [smem:$0x3FAF]  }
0x28: {  	s2 =	sld [smem:$0x3FB0]  }
0x29: {  	s4 =	sld [smem:$0x3FB2]  }
0x2a: {  	p0 =	seq.s32 s5, $0x0;
	s5 =	sld [smem:$0x3FB3]  }
0x2b: {  	s6 =	sld [smem:$0x3FB4]  }
0x2c: {  	s7 =	sld [smem:$0x3FB5]  }
0x2d: {  	s3 =	simm.s32 $0x108;
	s8 =	sld [smem:$0x3FB6]  }
0x2e: {  	s3 =	simm.s32 @!p0 $0x1082;
	s9 =	sld [smem:$0x3FB7]  }
0x2f: {  	lr =	sadd.s32 s0, s3;
	s0 =	sld [smem:$0x3FAE]  }
0x30: {  	s3 =	sld [smem:$0x3FB1]  }
0x31: {  	[smem:$0x3FBA] =	sst s10  }
0x32: {  	s10 =	sld [smem:$0x3FB8];
	_ =	sdelay $0x3  }
0x33: {  	p0 =	seq.s32 s10, $0x1;
	s10 =	sld [smem:$0x3FBA];
	_ =	sdelay $0x3  }
0x34: {  	[smem:$0x3FBA] =	sst s10  }
0x35: {  	s10 =	sld [smem:$0x3FB9];
	_ =	sdelay $0x3  }
0x36: {  	p1 =	seq.s32 s10, $0x1;
	s10 =	sld [smem:$0x3FBA];
	_ =	sdelay $0x3  }
0x37: {  	[smem:$0x3FBA] =	sst s10  }
0x38: {  	s10 =	sld [smem:$0x3FBB]  }
0x39: {  	_ = 	snop;
	(pc) =	sbr.ind lr, $3  }
0x3a: {  	_ = 	snop  }
0x3b: {  	_ = 	snop  }
0x3c: {  	p2 =	seq.s32 s10, $0x1;
	s10 =	sld [smem:$0x3FBA]  }
0x3d: {  	_ =	shalt  }
0x3e: {  	_ =	shalt  }
0x3f: {  	_ =	shalt  }
0x40: {  	_ =	shalt  }
0x41: {  	_ =	shalt  }
0x42: {  	_ =	shalt  }
0x43: {  	_ =	shalt  }
0x44: {  	_ =	shalt  }
0x45: {  	_ =	shalt  }
0x46: {  	_ =	shalt  }
0x47: {  	_ =	shalt  }
0x48: {  	_ =	shalt  }
0x49: {  	_ =	shalt  }
0x4a: {  	_ =	shalt  }
0x4b: {  	_ =	shalt  }
0x4c: {  	_ =	shalt  }
0x4d: {  	_ =	shalt  }
0x4e: {  	_ =	shalt  }
0x4f: {  	_ =	shalt  }
0x50: {  	_ =	shalt  }
0x51: {  	_ =	shalt  }
0x52: {  	_ =	shalt  }
0x53: {  	_ =	shalt  }
0x54: {  	_ =	shalt  }
0x55: {  	_ =	shalt  }
0x56: {  	_ =	shalt  }
0x57: {  	_ =	shalt  }
0x58: {  	_ =	shalt  }
0x59: {  	_ =	shalt  }
0x5a: {  	_ =	shalt  }
0x5b: {  	_ =	shalt  }
0x5c: {  	_ =	shalt  }
0x5d: {  	_ =	shalt  }
0x5e: {  	_ =	shalt  }
0x5f: {  	_ =	shalt  }
0x60: {  	_ =	shalt  }
0x61: {  	_ =	shalt  }
0x62: {  	_ =	shalt  }
0x63: {  	_ =	shalt  }
0x64: {  	_ =	shalt  }
0x65: {  	_ =	shalt  }
0x66: {  	_ =	shalt  }
0x67: {  	_ =	shalt  }
0x68: {  	_ =	shalt  }
0x69: {  	_ =	shalt  }
0x6a: {  	_ =	shalt  }
0x6b: {  	_ =	shalt  }
0x6c: {  	_ =	shalt  }
0x6d: {  	_ =	shalt  }
0x6e: {  	_ =	shalt  }
0x6f: {  	_ =	shalt  }
0x70: {  	_ =	shalt  }
0x71: {  	_ =	shalt  }
0x72: {  	_ =	shalt  }
0x73: {  	_ =	shalt  }
0x74: {  	_ =	shalt  }
0x75: {  	_ =	shalt  }
0x76: {  	_ =	shalt  }
0x77: {  	_ =	shalt  }
0x78: {  	_ =	shalt  }
0x79: {  	_ =	shalt  }
0x7a: {  	_ =	shalt  }
0x7b: {  	_ =	shalt  }
0x7c: {  	_ =	shalt  }
0x7d: {  	_ =	shalt  }
0x7e: {  	_ =	shalt  }
0x7f: {  	_ =	shalt  }
0x80: {  	_ =	shalt  }
0x81: {  	_ =	shalt  }
0x82: {  	_ =	shalt  }
0x83: {  	_ =	shalt  }
0x84: {  	_ =	shalt  }
0x85: {  	_ =	shalt  }
0x86: {  	_ =	shalt  }
0x87: {  	_ =	shalt  }
.Lfunc_end0:
.L_simem_size_0:
called_computation_lowered:
.L_overlay_start_0:
0x88: {  	s2 =	sld [smem:$0x3FD9]  }
0x89: {  	s3 =	sld [smem:$0x3FFE];
	_ =	sdelay $0x1  }
0x8a: {  	s1 =	srdreg.scid  }
0x8b: {  	s0 =	sand.u32 $0x1, s1  }
0x8c: {  	s22 =	sshll.u32 s0, $0xA;
	s2 =	sadd.s32 s3, s2  }
0x8d: {  	s2 =	sadd.s32 s2, s22  }
0x8e: {  	s23 =	simm.s32 $0x0;
	[smem:$0x3FC6] =	sst s2  }
0x8f: {  	[smem:$0xF] =	sst s23  }
0x90: {  	(tm) =	ssettm $0x1  }
0x91: {  	s24 =	sld [smem:$0x3FFB];
	_ =	sdelay $0x3  }
0x92: {  	_ =	strace s24  }
0x93: {  	s2 =	sld [smem:$0x3FFC];
	_ =	sdelay $0x3  }
0x94: {  	_ =	strace s2  }
0x95: {  	s2 =	sld [smem:$0x3FFD];
	_ =	sdelay $0x3  }
0x96: {  	_ =	strace s2  }
0x97: {  	s25 =	simm.s32 $0x1B8B;
	_ =	strace $0x8FFFFFFF  }
0x98: {  	_ =	swait.ge [sflag:s25], $0x1  }
0x99: {  	s4 =	sld [smem:$0x3FFE];
	_ =	sdelay $0x1  }
0x9a: {  	[sflag:s25] =	ssyncset.done $0x0  }
0x9b: {  	s26 =	simm.s32 $0x1B8E;
	s28 =	sshll.u32 s0, $0x6;
	[sflag:s25] =	ssyncadd.s32 $0xFFFFFFFF  }
0x9c: {  	s5 =	simm.s32 $0xA;
	[smem:$0x3FD2] =	sst s26;
	s2 =	sadd.s32 s28, s4  }
0x9d: {  	s6 =	simm.s32 $0x10;
	_ =	strace $0x80000046;
	s2 =	sadd.s32 $0xC38E00, s2  }
0x9e: {  	[smem:s6], [sflag:s5] =	dma.local [hbm:s2], $0x40  }
0x9f: {  	s2 =	sshll.u32 s0, $0x9;
	_ =	swait.ge [sflag:s5], $0x40  }
0xa0: {  	s3 =	sand.u32 $0x7, s23;
	s29 =	sadd.s32 $0x0, s2;
	[sflag:s5] =	ssyncset.done $0x0  }
0xa1: {  	p1 =	sne.s32 s3, $0x0;
	p0 =	seq.s32 s29, $0x0;
	[sflag:s5] =	ssyncadd.s32 $0xFFFFFFC0  }
0xa2: {  	p0 =	por !p0, !p1;
	s30 =	sld [smem:$0x10]  }
0xa3: {  	s5 =	simm.s32 $0x1;
	p0 =	por !p0, !p0  }
0xa4: {  	s8 =	simm.s32 $0x1;
	s6 =	sshrl.u32 s29, $0x3;
	s5 =	simm.s32 @!p0 $0x0  }
0xa5: {  	s8 =	sand.u32 $0x7, s8;
	s31 =	sshll.u32 s0, $0x10;
	s5 =	ssub.s32 s6, s5  }
0xa6: {  	p6 =	sne.s32 s8, $0x0;
	s5 =	smul.u32 $0xC3800, s5;
	s7 =	sshll.u32 s30, $0x3  }
0xa7: {  	s8 =	simm.s32 $0x2;
	s3 =	sadd.s32 $0xE00, s4;
	s7 =	sand.u32 $0x7FFFFC00, s7  }
0xa8: {  	s4 =	sadd.s32 s31, s4;
	s9 =	sadd.s32 $0x1, s2;
	s7 =	sadd.s32 s5, s7  }
0xa9: {  	s4 =	sadd.s32 $0xC39000, s4;
	p5 =	seq.s32 s9, $0x0;
	s7 =	sshrl.u32 s7, $0x3  }
0xaa: {  	p1 =	por !p5, !p6;
	s5 =	simm.s32 $0x9;
	s7 =	sadd.s32 s3, s7  }
0xab: {  	[hbm:s4], [sflag:s5] =	dma.local [hbm:s7], $0x80  }
0xac: {  	s6 =	simm.s32 $0x1;
	s7 =	simm.s32 $0x11;
	s10 =	sld [smem:$0x11]  }
.LBB1_1:
0xad: {  	p0 =	sne.s32 s8, $0x1FF;
	p1 =	por !p1, !p1;
	s11 =	simm.s32 $0x1  }
0xae: {  	s9 =	sshrl.u32 s9, $0x3;
	s11 =	simm.s32 @!p1 $0x0  }
0xaf: {  	s9 =	ssub.s32 s9, s11  }
0xb0: {  	s9 =	smul.u32 $0xC3800, s9;
	s10 =	sshll.u32 s10, $0x3  }
0xb1: {  	s7 =	sadd.s32 $0x1, s7;
	s10 =	sand.u32 $0x7FFFFC00, s10  }
0xb2: {  	s4 =	sadd.s32 $0x80, s4;
	s11 =	sand.u32 $0x7, s8;
	s10 =	sadd.s32 s9, s10  }
.Ltmp0:
0xb3: {  	s9 =	sadd.s32 s8, s2;
	s10 =	sshrl.u32 s10, $0x3;
	(pc) =	sbr.rel @p0 .LBB1_1-.Ltmp0, $3  }
0xb4: {  	p2 =	sne.s32 s11, $0x0;
	p1 =	seq.s32 s9, $0x0;
	s10 =	sadd.s32 s3, s10  }
0xb5: {  	[hbm:s4], [sflag:s5] =	dma.local [hbm:s10], $0x80  }
0xb6: {  	s8 =	sadd.s32 $0x1, s8;
	p1 =	por !p1, !p2;
	s10 =	sld [smem:s7+$0x0]  }
0xb7: {  	p0 =	por !p1, !p1  }
0xb8: {  	s2 =	sshrl.u32 s9, $0x3;
	s6 =	simm.s32 @!p0 $0x0  }
0xb9: {  	s2 =	ssub.s32 s2, s6  }
0xba: {  	s2 =	smul.u32 $0xC3800, s2;
	s31 =	sshll.u32 s10, $0x3  }
0xbb: {  	s6 =	sand.u32 $0x7FFFFC00, s31  }
0xbc: {  	s2 =	sadd.s32 s2, s6  }
0xbd: {  	s2 =	sshrl.u32 s2, $0x3  }
0xbe: {  	s4 =	sadd.s32 $0x80, s4;
	s2 =	sadd.s32 s3, s2  }
0xbf: {  	[hbm:s4], [sflag:s5] =	dma.local [hbm:s2], $0x80  }
0xc0: {  	s2 =	simm.s32 $0x9  }
0xc1: {  	_ =	swait.ge [sflag:s2], $0x80  }
0xc2: {  	s3 =	simm.s32 $0x1FF;
	[sflag:s2] =	ssyncset.done $0x0  }
.LBB1_3:
0xc3: {  	p0 =	sne.s32 s3, $0x1;
	s3 =	sadd.s32 $0xFFFFFFFF, s3;
	[sflag:s2] =	ssyncadd.s32 $0xFFFFFF80  }
.Ltmp1:
0xc4: {  	(pc) =	sbr.rel @p0 .LBB1_3-.Ltmp1, $3  }
0xc5: {  	_ = 	snop  }
0xc6: {  	_ =	swait.ge [sflag:s2], $0x80  }
0xc7: {  	[sflag:s2] =	ssyncset.done $0x0  }
0xc8: {  	[sflag:s2] =	ssyncadd.s32 $0xFFFFFF80  }
0xc9: {  	_ =	strace $0x90000046  }
0xca: {  	_ =	sfence  }
0xcb: {  	s30 =	sld [smem:$0x0];
	_ =	sdelay $0x2  }
0xcc: {  	s3 =	sshll.u32 s1, $0xD;
	s31 =	sshrl.u32 s1, $0x2  }
0xcd: {  	s3 =	sand.u32 $0x4000, s3;
	s1 =	sadd.s32 s31, s30  }
0xce: {  	s0 =	sor.u32 s3, s0;
	s1 =	sshll.u32 s1, $0x11  }
0xcf: {  	s0 =	sor.u32 s1, s0  }
0xd0: {  	s0 =	sadd.s32 $0x8F2B, s0;
	(pc) =	sbr.abs _section_cstart, $3  }
0xd1: {  	[sflag:s0] =	ssyncadd.remote.s32 $0x1  }
0xd2: {  	_ =	strace $0x9FFFFFFF  }
0xd3: {  	(tm) =	ssettm $0x7FFFFFFF  }

</sc_bundles>
